<compile_context>
chip_gen: v7x
topology: tpu7x:2x2x1
jax: 0.10.2.dev20260603
libtpu: 0.0.44.dev20260713+nightly
codegen_flags: <defaults>
</compile_context>

<pallas_src>
import functools

import jax
import jax.numpy as jnp
from jax import lax
from jax.experimental import pallas as pl
from jax.experimental.pallas import tpu as pltpu
from jax.experimental.pallas import tpu_sc as plsc

ROWS, D = 8192, 768
NC, NS = 2, 16
NW = NC * NS
ROWS_PER = ROWS // NW
CHUNK = 32
NCHUNK = ROWS_PER // CHUNK
NBUF = 4

_mesh = plsc.VectorSubcoreMesh(core_axis_name="c", subcore_axis_name="s")


@functools.partial(
    pl.kernel,
    mesh=_mesh,
    out_type=jax.ShapeDtypeStruct((ROWS, D), jnp.float32),
    scratch_types=(
        [pltpu.VMEM((CHUNK, D), jnp.float32) for _ in range(NBUF)]
        + [pltpu.SemaphoreType.DMA for _ in range(2 * NBUF)]
    ),
)
def _sc_copy(w_hbm, out_hbm, *scratch):
    bufs = scratch[:NBUF]
    gsem = scratch[NBUF : 2 * NBUF]
    ssem = scratch[2 * NBUF :]
    wid = lax.axis_index("s") * NC + lax.axis_index("c")
    base = wid * ROWS_PER

    gathers = [None] * NCHUNK
    scatters = [None] * NCHUNK

    def g(i):
        b = i % NBUF
        return pltpu.async_copy(
            w_hbm.at[pl.ds(base + i * CHUNK, CHUNK)], bufs[b], gsem[b]
        )

    def s(i):
        b = i % NBUF
        return pltpu.async_copy(
            bufs[b], out_hbm.at[pl.ds(base + i * CHUNK, CHUNK)], ssem[b]
        )

    for i in range(NBUF):
        gathers[i] = g(i)
    for i in range(NCHUNK):
        if 0 < i and i - 1 + NBUF < NCHUNK:
            scatters[i - 1].wait()
            gathers[i - 1 + NBUF] = g(i - 1 + NBUF)
        gathers[i].wait()
        scatters[i] = s(i)
    for i in range(max(0, NCHUNK - NBUF), NCHUNK):
        scatters[i].wait()


def kernel(x, W):
    del x
    return _sc_copy(W)

# --- scband reference (transcript-rebuilt; emitter-appended) ---
"""Pipeline reference for scband-learned-positional-encoding-50964081934919 (READ-ONLY COPY).

The authoritative reference and input builder live on the scoring server;
editing this copy changes nothing except your own understanding.
"""

import jax, jax.numpy as jnp
import numpy as np

D_MODEL = 768
MAX_LEN = 8192
SEQ_LEN = 8192
BATCH = 2


def setup_inputs(seed: int = 0) -> dict:
    key = jax.random.key(seed)
    k_x, k_w = jax.random.split(key)
    x = jax.random.normal(k_x, (SEQ_LEN, BATCH, D_MODEL), dtype=jnp.float32)
    # Learned positional embedding table (nn.Embedding(max_len, d_model))
    W = jax.random.normal(k_w, (MAX_LEN, D_MODEL), dtype=jnp.float32) * 0.02
    return {"x": x, "W": W}


def reference(x, W):
    # seq_len = x.size(0); positions = arange(seq_len); return embedding(positions)
    seq_len = x.shape[0]
    positions = jnp.arange(seq_len, dtype=jnp.int32)
    return jnp.take(W, positions, axis=0)

if __name__ == "__main__":
    import jax
    _d = setup_inputs()
    print(jax.jit(kernel)(*tuple(_d.values())))

</pallas_src>

<mosaic_0001>
#map = affine_map<(d0, d1) -> (0, 0)>
module attributes {stable_mosaic.version = 14 : i64} {
  func.func @_sc_copy(%arg0: i32, %arg1: i32, %arg2: memref<8192x768xf32, #tpu.memory_space<hbm>>, %arg3: memref<8192x768xf32, #tpu.memory_space<hbm>>, %arg4: memref<32x768xf32, #tpu.memory_space<vmem>>, %arg5: memref<32x768xf32, #tpu.memory_space<vmem>>, %arg6: memref<32x768xf32, #tpu.memory_space<vmem>>, %arg7: memref<32x768xf32, #tpu.memory_space<vmem>>, %arg8: memref<!tpu.dma_semaphore, #tpu.memory_space<semaphore_mem>>, %arg9: memref<!tpu.dma_semaphore, #tpu.memory_space<semaphore_mem>>, %arg10: memref<!tpu.dma_semaphore, #tpu.memory_space<semaphore_mem>>, %arg11: memref<!tpu.dma_semaphore, #tpu.memory_space<semaphore_mem>>, %arg12: memref<!tpu.dma_semaphore, #tpu.memory_space<semaphore_mem>>, %arg13: memref<!tpu.dma_semaphore, #tpu.memory_space<semaphore_mem>>, %arg14: memref<!tpu.dma_semaphore, #tpu.memory_space<semaphore_mem>>, %arg15: memref<!tpu.dma_semaphore, #tpu.memory_space<semaphore_mem>>) attributes {dimension_semantics = [#tpu.dimension_semantics<core_parallel>, #tpu.dimension_semantics<subcore_parallel>], iteration_bounds = array<i64: 2, 16>, scalar_prefetch = 0 : i64, scratch_operands = 12 : i64, tpu.core_type = #tpu.core_type<sc_vector_subcore>, window_params = [{transform_indices = #map}, {transform_indices = #map}]} {
    %mul3A = arith.constant 2 : i32
    %mul3A_0 = arith.muli %arg1, %mul3A : i32
    %add3A = arith.addi %mul3A_0, %arg0 : i32
    %mul3A_1 = arith.constant 256 : i32
    %mul3A_2 = arith.muli %add3A, %mul3A_1 : i32
    %add3A_3 = arith.constant 0 : i32
    %add3A_4 = arith.addi %mul3A_2, %add3A_3 : i32
    %dma_start3A = arith.constant 0 : i32
    %dma_start3A_5 = tpu.memref_slice %arg2[%add3A_4, %dma_start3A] : memref<8192x768xf32, #tpu.memory_space<hbm>> -> memref<32x768xf32, #tpu.memory_space<hbm>>
    %dma_start3A_6 = arith.constant 0 : i32
    %dma_start3A_7 = tpu.memref_slice %arg2[%add3A_4, %dma_start3A_6] : memref<8192x768xf32, #tpu.memory_space<hbm>> -> memref<32x768xf32, #tpu.memory_space<hbm>>
    tpu.enqueue_dma source(%dma_start3A_7 : memref<32x768xf32, #tpu.memory_space<hbm>>) target(%arg4 : memref<32x768xf32, #tpu.memory_space<vmem>>) target_semaphore(%arg8 : memref<!tpu.dma_semaphore, #tpu.memory_space<semaphore_mem>>)
    %add3A_8 = arith.constant 32 : i32
    %add3A_9 = arith.addi %mul3A_2, %add3A_8 : i32
    %dma_start3A_10 = arith.constant 0 : i32
    %dma_start3A_11 = tpu.memref_slice %arg2[%add3A_9, %dma_start3A_10] : memref<8192x768xf32, #tpu.memory_space<hbm>> -> memref<32x768xf32, #tpu.memory_space<hbm>>
    %dma_start3A_12 = arith.constant 0 : i32
    %dma_start3A_13 = tpu.memref_slice %arg2[%add3A_9, %dma_start3A_12] : memref<8192x768xf32, #tpu.memory_space<hbm>> -> memref<32x768xf32, #tpu.memory_space<hbm>>
    tpu.enqueue_dma source(%dma_start3A_13 : memref<32x768xf32, #tpu.memory_space<hbm>>) target(%arg5 : memref<32x768xf32, #tpu.memory_space<vmem>>) target_semaphore(%arg9 : memref<!tpu.dma_semaphore, #tpu.memory_space<semaphore_mem>>)
    %add3A_14 = arith.constant 64 : i32
    %add3A_15 = arith.addi %mul3A_2, %add3A_14 : i32
    %dma_start3A_16 = arith.constant 0 : i32
    %dma_start3A_17 = tpu.memref_slice %arg2[%add3A_15, %dma_start3A_16] : memref<8192x768xf32, #tpu.memory_space<hbm>> -> memref<32x768xf32, #tpu.memory_space<hbm>>
    %dma_start3A_18 = arith.constant 0 : i32
    %dma_start3A_19 = tpu.memref_slice %arg2[%add3A_15, %dma_start3A_18] : memref<8192x768xf32, #tpu.memory_space<hbm>> -> memref<32x768xf32, #tpu.memory_space<hbm>>
    tpu.enqueue_dma source(%dma_start3A_19 : memref<32x768xf32, #tpu.memory_space<hbm>>) target(%arg6 : memref<32x768xf32, #tpu.memory_space<vmem>>) target_semaphore(%arg10 : memref<!tpu.dma_semaphore, #tpu.memory_space<semaphore_mem>>)
    %add3A_20 = arith.constant 96 : i32
    %add3A_21 = arith.addi %mul3A_2, %add3A_20 : i32
    %dma_start3A_22 = arith.constant 0 : i32
    %dma_start3A_23 = tpu.memref_slice %arg2[%add3A_21, %dma_start3A_22] : memref<8192x768xf32, #tpu.memory_space<hbm>> -> memref<32x768xf32, #tpu.memory_space<hbm>>
    %dma_start3A_24 = arith.constant 0 : i32
    %dma_start3A_25 = tpu.memref_slice %arg2[%add3A_21, %dma_start3A_24] : memref<8192x768xf32, #tpu.memory_space<hbm>> -> memref<32x768xf32, #tpu.memory_space<hbm>>
    tpu.enqueue_dma source(%dma_start3A_25 : memref<32x768xf32, #tpu.memory_space<hbm>>) target(%arg7 : memref<32x768xf32, #tpu.memory_space<vmem>>) target_semaphore(%arg11 : memref<!tpu.dma_semaphore, #tpu.memory_space<semaphore_mem>>)
    %dma_wait3A = arith.constant 0 : i32
    %dma_wait3A_26 = tpu.memref_slice %arg2[%add3A_4, %dma_wait3A] : memref<8192x768xf32, #tpu.memory_space<hbm>> -> memref<32x768xf32, #tpu.memory_space<hbm>>
    %dma_wait3A_27 = arith.constant 0 : i32
    %dma_wait3A_28 = tpu.memref_slice %arg2[%add3A_4, %dma_wait3A_27] : memref<8192x768xf32, #tpu.memory_space<hbm>> -> memref<32x768xf32, #tpu.memory_space<hbm>>
    tpu.wait_dma2 semaphore(%arg8 : memref<!tpu.dma_semaphore, #tpu.memory_space<semaphore_mem>>) src(%dma_wait3A_28 : memref<32x768xf32, #tpu.memory_space<hbm>>) dst(%arg4 : memref<32x768xf32, #tpu.memory_space<vmem>>)
    %add3A_29 = arith.constant 0 : i32
    %add3A_30 = arith.addi %mul3A_2, %add3A_29 : i32
    %dma_start3A_31 = arith.constant 0 : i32
    %dma_start3A_32 = tpu.memref_slice %arg3[%add3A_30, %dma_start3A_31] : memref<8192x768xf32, #tpu.memory_space<hbm>> -> memref<32x768xf32, #tpu.memory_space<hbm>>
    %dma_start3A_33 = arith.constant 0 : i32
    %dma_start3A_34 = tpu.memref_slice %arg3[%add3A_30, %dma_start3A_33] : memref<8192x768xf32, #tpu.memory_space<hbm>> -> memref<32x768xf32, #tpu.memory_space<hbm>>
    tpu.enqueue_dma source(%arg4 : memref<32x768xf32, #tpu.memory_space<vmem>>) target(%dma_start3A_34 : memref<32x768xf32, #tpu.memory_space<hbm>>) target_semaphore(%arg12 : memref<!tpu.dma_semaphore, #tpu.memory_space<semaphore_mem>>)
    %dma_wait3A_35 = arith.constant 0 : i32
    %dma_wait3A_36 = tpu.memref_slice %arg3[%add3A_30, %dma_wait3A_35] : memref<8192x768xf32, #tpu.memory_space<hbm>> -> memref<32x768xf32, #tpu.memory_space<hbm>>
    %dma_wait3A_37 = arith.constant 0 : i32
    %dma_wait3A_38 = tpu.memref_slice %arg3[%add3A_30, %dma_wait3A_37] : memref<8192x768xf32, #tpu.memory_space<hbm>> -> memref<32x768xf32, #tpu.memory_space<hbm>>
    tpu.wait_dma2 semaphore(%arg12 : memref<!tpu.dma_semaphore, #tpu.memory_space<semaphore_mem>>) src(%arg4 : memref<32x768xf32, #tpu.memory_space<vmem>>) dst(%dma_wait3A_38 : memref<32x768xf32, #tpu.memory_space<hbm>>)
    %add3A_39 = arith.constant 128 : i32
    %add3A_40 = arith.addi %mul3A_2, %add3A_39 : i32
    %dma_start3A_41 = arith.constant 0 : i32
    %dma_start3A_42 = tpu.memref_slice %arg2[%add3A_40, %dma_start3A_41] : memref<8192x768xf32, #tpu.memory_space<hbm>> -> memref<32x768xf32, #tpu.memory_space<hbm>>
    %dma_start3A_43 = arith.constant 0 : i32
    %dma_start3A_44 = tpu.memref_slice %arg2[%add3A_40, %dma_start3A_43] : memref<8192x768xf32, #tpu.memory_space<hbm>> -> memref<32x768xf32, #tpu.memory_space<hbm>>
    tpu.enqueue_dma source(%dma_start3A_44 : memref<32x768xf32, #tpu.memory_space<hbm>>) target(%arg4 : memref<32x768xf32, #tpu.memory_space<vmem>>) target_semaphore(%arg8 : memref<!tpu.dma_semaphore, #tpu.memory_space<semaphore_mem>>)
    %dma_wait3A_45 = arith.constant 0 : i32
    %dma_wait3A_46 = tpu.memref_slice %arg2[%add3A_9, %dma_wait3A_45] : memref<8192x768xf32, #tpu.memory_space<hbm>> -> memref<32x768xf32, #tpu.memory_space<hbm>>
    %dma_wait3A_47 = arith.constant 0 : i32
    %dma_wait3A_48 = tpu.memref_slice %arg2[%add3A_9, %dma_wait3A_47] : memref<8192x768xf32, #tpu.memory_space<hbm>> -> memref<32x768xf32, #tpu.memory_space<hbm>>
    tpu.wait_dma2 semaphore(%arg9 : memref<!tpu.dma_semaphore, #tpu.memory_space<semaphore_mem>>) src(%dma_wait3A_48 : memref<32x768xf32, #tpu.memory_space<hbm>>) dst(%arg5 : memref<32x768xf32, #tpu.memory_space<vmem>>)
    %add3A_49 = arith.constant 32 : i32
    %add3A_50 = arith.addi %mul3A_2, %add3A_49 : i32
    %dma_start3A_51 = arith.constant 0 : i32
    %dma_start3A_52 = tpu.memref_slice %arg3[%add3A_50, %dma_start3A_51] : memref<8192x768xf32, #tpu.memory_space<hbm>> -> memref<32x768xf32, #tpu.memory_space<hbm>>
    %dma_start3A_53 = arith.constant 0 : i32
    %dma_start3A_54 = tpu.memref_slice %arg3[%add3A_50, %dma_start3A_53] : memref<8192x768xf32, #tpu.memory_space<hbm>> -> memref<32x768xf32, #tpu.memory_space<hbm>>
    tpu.enqueue_dma source(%arg5 : memref<32x768xf32, #tpu.memory_space<vmem>>) target(%dma_start3A_54 : memref<32x768xf32, #tpu.memory_space<hbm>>) target_semaphore(%arg13 : memref<!tpu.dma_semaphore, #tpu.memory_space<semaphore_mem>>)
    %dma_wait3A_55 = arith.constant 0 : i32
    %dma_wait3A_56 = tpu.memref_slice %arg3[%add3A_50, %dma_wait3A_55] : memref<8192x768xf32, #tpu.memory_space<hbm>> -> memref<32x768xf32, #tpu.memory_space<hbm>>
    %dma_wait3A_57 = arith.constant 0 : i32
    %dma_wait3A_58 = tpu.memref_slice %arg3[%add3A_50, %dma_wait3A_57] : memref<8192x768xf32, #tpu.memory_space<hbm>> -> memref<32x768xf32, #tpu.memory_space<hbm>>
    tpu.wait_dma2 semaphore(%arg13 : memref<!tpu.dma_semaphore, #tpu.memory_space<semaphore_mem>>) src(%arg5 : memref<32x768xf32, #tpu.memory_space<vmem>>) dst(%dma_wait3A_58 : memref<32x768xf32, #tpu.memory_space<hbm>>)
    %add3A_59 = arith.constant 160 : i32
    %add3A_60 = arith.addi %mul3A_2, %add3A_59 : i32
    %dma_start3A_61 = arith.constant 0 : i32
    %dma_start3A_62 = tpu.memref_slice %arg2[%add3A_60, %dma_start3A_61] : memref<8192x768xf32, #tpu.memory_space<hbm>> -> memref<32x768xf32, #tpu.memory_space<hbm>>
    %dma_start3A_63 = arith.constant 0 : i32
    %dma_start3A_64 = tpu.memref_slice %arg2[%add3A_60, %dma_start3A_63] : memref<8192x768xf32, #tpu.memory_space<hbm>> -> memref<32x768xf32, #tpu.memory_space<hbm>>
    tpu.enqueue_dma source(%dma_start3A_64 : memref<32x768xf32, #tpu.memory_space<hbm>>) target(%arg5 : memref<32x768xf32, #tpu.memory_space<vmem>>) target_semaphore(%arg9 : memref<!tpu.dma_semaphore, #tpu.memory_space<semaphore_mem>>)
    %dma_wait3A_65 = arith.constant 0 : i32
    %dma_wait3A_66 = tpu.memref_slice %arg2[%add3A_15, %dma_wait3A_65] : memref<8192x768xf32, #tpu.memory_space<hbm>> -> memref<32x768xf32, #tpu.memory_space<hbm>>
    %dma_wait3A_67 = arith.constant 0 : i32
    %dma_wait3A_68 = tpu.memref_slice %arg2[%add3A_15, %dma_wait3A_67] : memref<8192x768xf32, #tpu.memory_space<hbm>> -> memref<32x768xf32, #tpu.memory_space<hbm>>
    tpu.wait_dma2 semaphore(%arg10 : memref<!tpu.dma_semaphore, #tpu.memory_space<semaphore_mem>>) src(%dma_wait3A_68 : memref<32x768xf32, #tpu.memory_space<hbm>>) dst(%arg6 : memref<32x768xf32, #tpu.memory_space<vmem>>)
    %add3A_69 = arith.constant 64 : i32
    %add3A_70 = arith.addi %mul3A_2, %add3A_69 : i32
    %dma_start3A_71 = arith.constant 0 : i32
    %dma_start3A_72 = tpu.memref_slice %arg3[%add3A_70, %dma_start3A_71] : memref<8192x768xf32, #tpu.memory_space<hbm>> -> memref<32x768xf32, #tpu.memory_space<hbm>>
    %dma_start3A_73 = arith.constant 0 : i32
    %dma_start3A_74 = tpu.memref_slice %arg3[%add3A_70, %dma_start3A_73] : memref<8192x768xf32, #tpu.memory_space<hbm>> -> memref<32x768xf32, #tpu.memory_space<hbm>>
    tpu.enqueue_dma source(%arg6 : memref<32x768xf32, #tpu.memory_space<vmem>>) target(%dma_start3A_74 : memref<32x768xf32, #tpu.memory_space<hbm>>) target_semaphore(%arg14 : memref<!tpu.dma_semaphore, #tpu.memory_space<semaphore_mem>>)
    %dma_wait3A_75 = arith.constant 0 : i32
    %dma_wait3A_76 = tpu.memref_slice %arg3[%add3A_70, %dma_wait3A_75] : memref<8192x768xf32, #tpu.memory_space<hbm>> -> memref<32x768xf32, #tpu.memory_space<hbm>>
    %dma_wait3A_77 = arith.constant 0 : i32
    %dma_wait3A_78 = tpu.memref_slice %arg3[%add3A_70, %dma_wait3A_77] : memref<8192x768xf32, #tpu.memory_space<hbm>> -> memref<32x768xf32, #tpu.memory_space<hbm>>
    tpu.wait_dma2 semaphore(%arg14 : memref<!tpu.dma_semaphore, #tpu.memory_space<semaphore_mem>>) src(%arg6 : memref<32x768xf32, #tpu.memory_space<vmem>>) dst(%dma_wait3A_78 : memref<32x768xf32, #tpu.memory_space<hbm>>)
    %add3A_79 = arith.constant 192 : i32
    %add3A_80 = arith.addi %mul3A_2, %add3A_79 : i32
    %dma_start3A_81 = arith.constant 0 : i32
    %dma_start3A_82 = tpu.memref_slice %arg2[%add3A_80, %dma_start3A_81] : memref<8192x768xf32, #tpu.memory_space<hbm>> -> memref<32x768xf32, #tpu.memory_space<hbm>>
    %dma_start3A_83 = arith.constant 0 : i32
    %dma_start3A_84 = tpu.memref_slice %arg2[%add3A_80, %dma_start3A_83] : memref<8192x768xf32, #tpu.memory_space<hbm>> -> memref<32x768xf32, #tpu.memory_space<hbm>>
    tpu.enqueue_dma source(%dma_start3A_84 : memref<32x768xf32, #tpu.memory_space<hbm>>) target(%arg6 : memref<32x768xf32, #tpu.memory_space<vmem>>) target_semaphore(%arg10 : memref<!tpu.dma_semaphore, #tpu.memory_space<semaphore_mem>>)
    %dma_wait3A_85 = arith.constant 0 : i32
    %dma_wait3A_86 = tpu.memref_slice %arg2[%add3A_21, %dma_wait3A_85] : memref<8192x768xf32, #tpu.memory_space<hbm>> -> memref<32x768xf32, #tpu.memory_space<hbm>>
    %dma_wait3A_87 = arith.constant 0 : i32
    %dma_wait3A_88 = tpu.memref_slice %arg2[%add3A_21, %dma_wait3A_87] : memref<8192x768xf32, #tpu.memory_space<hbm>> -> memref<32x768xf32, #tpu.memory_space<hbm>>
    tpu.wait_dma2 semaphore(%arg11 : memref<!tpu.dma_semaphore, #tpu.memory_space<semaphore_mem>>) src(%dma_wait3A_88 : memref<32x768xf32, #tpu.memory_space<hbm>>) dst(%arg7 : memref<32x768xf32, #tpu.memory_space<vmem>>)
    %add3A_89 = arith.constant 96 : i32
    %add3A_90 = arith.addi %mul3A_2, %add3A_89 : i32
    %dma_start3A_91 = arith.constant 0 : i32
    %dma_start3A_92 = tpu.memref_slice %arg3[%add3A_90, %dma_start3A_91] : memref<8192x768xf32, #tpu.memory_space<hbm>> -> memref<32x768xf32, #tpu.memory_space<hbm>>
    %dma_start3A_93 = arith.constant 0 : i32
    %dma_start3A_94 = tpu.memref_slice %arg3[%add3A_90, %dma_start3A_93] : memref<8192x768xf32, #tpu.memory_space<hbm>> -> memref<32x768xf32, #tpu.memory_space<hbm>>
    tpu.enqueue_dma source(%arg7 : memref<32x768xf32, #tpu.memory_space<vmem>>) target(%dma_start3A_94 : memref<32x768xf32, #tpu.memory_space<hbm>>) target_semaphore(%arg15 : memref<!tpu.dma_semaphore, #tpu.memory_space<semaphore_mem>>)
    %dma_wait3A_95 = arith.constant 0 : i32
    %dma_wait3A_96 = tpu.memref_slice %arg3[%add3A_90, %dma_wait3A_95] : memref<8192x768xf32, #tpu.memory_space<hbm>> -> memref<32x768xf32, #tpu.memory_space<hbm>>
    %dma_wait3A_97 = arith.constant 0 : i32
    %dma_wait3A_98 = tpu.memref_slice %arg3[%add3A_90, %dma_wait3A_97] : memref<8192x768xf32, #tpu.memory_space<hbm>> -> memref<32x768xf32, #tpu.memory_space<hbm>>
    tpu.wait_dma2 semaphore(%arg15 : memref<!tpu.dma_semaphore, #tpu.memory_space<semaphore_mem>>) src(%arg7 : memref<32x768xf32, #tpu.memory_space<vmem>>) dst(%dma_wait3A_98 : memref<32x768xf32, #tpu.memory_space<hbm>>)
    %add3A_99 = arith.constant 224 : i32
    %add3A_100 = arith.addi %mul3A_2, %add3A_99 : i32
    %dma_start3A_101 = arith.constant 0 : i32
    %dma_start3A_102 = tpu.memref_slice %arg2[%add3A_100, %dma_start3A_101] : memref<8192x768xf32, #tpu.memory_space<hbm>> -> memref<32x768xf32, #tpu.memory_space<hbm>>
    %dma_start3A_103 = arith.constant 0 : i32
    %dma_start3A_104 = tpu.memref_slice %arg2[%add3A_100, %dma_start3A_103] : memref<8192x768xf32, #tpu.memory_space<hbm>> -> memref<32x768xf32, #tpu.memory_space<hbm>>
    tpu.enqueue_dma source(%dma_start3A_104 : memref<32x768xf32, #tpu.memory_space<hbm>>) target(%arg7 : memref<32x768xf32, #tpu.memory_space<vmem>>) target_semaphore(%arg11 : memref<!tpu.dma_semaphore, #tpu.memory_space<semaphore_mem>>)
    %dma_wait3A_105 = arith.constant 0 : i32
    %dma_wait3A_106 = tpu.memref_slice %arg2[%add3A_40, %dma_wait3A_105] : memref<8192x768xf32, #tpu.memory_space<hbm>> -> memref<32x768xf32, #tpu.memory_space<hbm>>
    %dma_wait3A_107 = arith.constant 0 : i32
    %dma_wait3A_108 = tpu.memref_slice %arg2[%add3A_40, %dma_wait3A_107] : memref<8192x768xf32, #tpu.memory_space<hbm>> -> memref<32x768xf32, #tpu.memory_space<hbm>>
    tpu.wait_dma2 semaphore(%arg8 : memref<!tpu.dma_semaphore, #tpu.memory_space<semaphore_mem>>) src(%dma_wait3A_108 : memref<32x768xf32, #tpu.memory_space<hbm>>) dst(%arg4 : memref<32x768xf32, #tpu.memory_space<vmem>>)
    %add3A_109 = arith.constant 128 : i32
    %add3A_110 = arith.addi %mul3A_2, %add3A_109 : i32
    %dma_start3A_111 = arith.constant 0 : i32
    %dma_start3A_112 = tpu.memref_slice %arg3[%add3A_110, %dma_start3A_111] : memref<8192x768xf32, #tpu.memory_space<hbm>> -> memref<32x768xf32, #tpu.memory_space<hbm>>
    %dma_start3A_113 = arith.constant 0 : i32
    %dma_start3A_114 = tpu.memref_slice %arg3[%add3A_110, %dma_start3A_113] : memref<8192x768xf32, #tpu.memory_space<hbm>> -> memref<32x768xf32, #tpu.memory_space<hbm>>
    tpu.enqueue_dma source(%arg4 : memref<32x768xf32, #tpu.memory_space<vmem>>) target(%dma_start3A_114 : memref<32x768xf32, #tpu.memory_space<hbm>>) target_semaphore(%arg12 : memref<!tpu.dma_semaphore, #tpu.memory_space<semaphore_mem>>)
    %dma_wait3A_115 = arith.constant 0 : i32
    %dma_wait3A_116 = tpu.memref_slice %arg2[%add3A_60, %dma_wait3A_115] : memref<8192x768xf32, #tpu.memory_space<hbm>> -> memref<32x768xf32, #tpu.memory_space<hbm>>
    %dma_wait3A_117 = arith.constant 0 : i32
    %dma_wait3A_118 = tpu.memref_slice %arg2[%add3A_60, %dma_wait3A_117] : memref<8192x768xf32, #tpu.memory_space<hbm>> -> memref<32x768xf32, #tpu.memory_space<hbm>>
    tpu.wait_dma2 semaphore(%arg9 : memref<!tpu.dma_semaphore, #tpu.memory_space<semaphore_mem>>) src(%dma_wait3A_118 : memref<32x768xf32, #tpu.memory_space<hbm>>) dst(%arg5 : memref<32x768xf32, #tpu.memory_space<vmem>>)
    %add3A_119 = arith.constant 160 : i32
    %add3A_120 = arith.addi %mul3A_2, %add3A_119 : i32
    %dma_start3A_121 = arith.constant 0 : i32
    %dma_start3A_122 = tpu.memref_slice %arg3[%add3A_120, %dma_start3A_121] : memref<8192x768xf32, #tpu.memory_space<hbm>> -> memref<32x768xf32, #tpu.memory_space<hbm>>
    %dma_start3A_123 = arith.constant 0 : i32
    %dma_start3A_124 = tpu.memref_slice %arg3[%add3A_120, %dma_start3A_123] : memref<8192x768xf32, #tpu.memory_space<hbm>> -> memref<32x768xf32, #tpu.memory_space<hbm>>
    tpu.enqueue_dma source(%arg5 : memref<32x768xf32, #tpu.memory_space<vmem>>) target(%dma_start3A_124 : memref<32x768xf32, #tpu.memory_space<hbm>>) target_semaphore(%arg13 : memref<!tpu.dma_semaphore, #tpu.memory_space<semaphore_mem>>)
    %dma_wait3A_125 = arith.constant 0 : i32
    %dma_wait3A_126 = tpu.memref_slice %arg2[%add3A_80, %dma_wait3A_125] : memref<8192x768xf32, #tpu.memory_space<hbm>> -> memref<32x768xf32, #tpu.memory_space<hbm>>
    %dma_wait3A_127 = arith.constant 0 : i32
    %dma_wait3A_128 = tpu.memref_slice %arg2[%add3A_80, %dma_wait3A_127] : memref<8192x768xf32, #tpu.memory_space<hbm>> -> memref<32x768xf32, #tpu.memory_space<hbm>>
    tpu.wait_dma2 semaphore(%arg10 : memref<!tpu.dma_semaphore, #tpu.memory_space<semaphore_mem>>) src(%dma_wait3A_128 : memref<32x768xf32, #tpu.memory_space<hbm>>) dst(%arg6 : memref<32x768xf32, #tpu.memory_space<vmem>>)
    %add3A_129 = arith.constant 192 : i32
    %add3A_130 = arith.addi %mul3A_2, %add3A_129 : i32
    %dma_start3A_131 = arith.constant 0 : i32
    %dma_start3A_132 = tpu.memref_slice %arg3[%add3A_130, %dma_start3A_131] : memref<8192x768xf32, #tpu.memory_space<hbm>> -> memref<32x768xf32, #tpu.memory_space<hbm>>
    %dma_start3A_133 = arith.constant 0 : i32
    %dma_start3A_134 = tpu.memref_slice %arg3[%add3A_130, %dma_start3A_133] : memref<8192x768xf32, #tpu.memory_space<hbm>> -> memref<32x768xf32, #tpu.memory_space<hbm>>
    tpu.enqueue_dma source(%arg6 : memref<32x768xf32, #tpu.memory_space<vmem>>) target(%dma_start3A_134 : memref<32x768xf32, #tpu.memory_space<hbm>>) target_semaphore(%arg14 : memref<!tpu.dma_semaphore, #tpu.memory_space<semaphore_mem>>)
    %dma_wait3A_135 = arith.constant 0 : i32
    %dma_wait3A_136 = tpu.memref_slice %arg2[%add3A_100, %dma_wait3A_135] : memref<8192x768xf32, #tpu.memory_space<hbm>> -> memref<32x768xf32, #tpu.memory_space<hbm>>
    %dma_wait3A_137 = arith.constant 0 : i32
    %dma_wait3A_138 = tpu.memref_slice %arg2[%add3A_100, %dma_wait3A_137] : memref<8192x768xf32, #tpu.memory_space<hbm>> -> memref<32x768xf32, #tpu.memory_space<hbm>>
    tpu.wait_dma2 semaphore(%arg11 : memref<!tpu.dma_semaphore, #tpu.memory_space<semaphore_mem>>) src(%dma_wait3A_138 : memref<32x768xf32, #tpu.memory_space<hbm>>) dst(%arg7 : memref<32x768xf32, #tpu.memory_space<vmem>>)
    %add3A_139 = arith.constant 224 : i32
    %add3A_140 = arith.addi %mul3A_2, %add3A_139 : i32
    %dma_start3A_141 = arith.constant 0 : i32
    %dma_start3A_142 = tpu.memref_slice %arg3[%add3A_140, %dma_start3A_141] : memref<8192x768xf32, #tpu.memory_space<hbm>> -> memref<32x768xf32, #tpu.memory_space<hbm>>
    %dma_start3A_143 = arith.constant 0 : i32
    %dma_start3A_144 = tpu.memref_slice %arg3[%add3A_140, %dma_start3A_143] : memref<8192x768xf32, #tpu.memory_space<hbm>> -> memref<32x768xf32, #tpu.memory_space<hbm>>
    tpu.enqueue_dma source(%arg7 : memref<32x768xf32, #tpu.memory_space<vmem>>) target(%dma_start3A_144 : memref<32x768xf32, #tpu.memory_space<hbm>>) target_semaphore(%arg15 : memref<!tpu.dma_semaphore, #tpu.memory_space<semaphore_mem>>)
    %dma_wait3A_145 = arith.constant 0 : i32
    %dma_wait3A_146 = tpu.memref_slice %arg3[%add3A_110, %dma_wait3A_145] : memref<8192x768xf32, #tpu.memory_space<hbm>> -> memref<32x768xf32, #tpu.memory_space<hbm>>
    %dma_wait3A_147 = arith.constant 0 : i32
    %dma_wait3A_148 = tpu.memref_slice %arg3[%add3A_110, %dma_wait3A_147] : memref<8192x768xf32, #tpu.memory_space<hbm>> -> memref<32x768xf32, #tpu.memory_space<hbm>>
    tpu.wait_dma2 semaphore(%arg12 : memref<!tpu.dma_semaphore, #tpu.memory_space<semaphore_mem>>) src(%arg4 : memref<32x768xf32, #tpu.memory_space<vmem>>) dst(%dma_wait3A_148 : memref<32x768xf32, #tpu.memory_space<hbm>>)
    %dma_wait3A_149 = arith.constant 0 : i32
    %dma_wait3A_150 = tpu.memref_slice %arg3[%add3A_120, %dma_wait3A_149] : memref<8192x768xf32, #tpu.memory_space<hbm>> -> memref<32x768xf32, #tpu.memory_space<hbm>>
    %dma_wait3A_151 = arith.constant 0 : i32
    %dma_wait3A_152 = tpu.memref_slice %arg3[%add3A_120, %dma_wait3A_151] : memref<8192x768xf32, #tpu.memory_space<hbm>> -> memref<32x768xf32, #tpu.memory_space<hbm>>
    tpu.wait_dma2 semaphore(%arg13 : memref<!tpu.dma_semaphore, #tpu.memory_space<semaphore_mem>>) src(%arg5 : memref<32x768xf32, #tpu.memory_space<vmem>>) dst(%dma_wait3A_152 : memref<32x768xf32, #tpu.memory_space<hbm>>)
    %dma_wait3A_153 = arith.constant 0 : i32
    %dma_wait3A_154 = tpu.memref_slice %arg3[%add3A_130, %dma_wait3A_153] : memref<8192x768xf32, #tpu.memory_space<hbm>> -> memref<32x768xf32, #tpu.memory_space<hbm>>
    %dma_wait3A_155 = arith.constant 0 : i32
    %dma_wait3A_156 = tpu.memref_slice %arg3[%add3A_130, %dma_wait3A_155] : memref<8192x768xf32, #tpu.memory_space<hbm>> -> memref<32x768xf32, #tpu.memory_space<hbm>>
    tpu.wait_dma2 semaphore(%arg14 : memref<!tpu.dma_semaphore, #tpu.memory_space<semaphore_mem>>) src(%arg6 : memref<32x768xf32, #tpu.memory_space<vmem>>) dst(%dma_wait3A_156 : memref<32x768xf32, #tpu.memory_space<hbm>>)
    %dma_wait3A_157 = arith.constant 0 : i32
    %dma_wait3A_158 = tpu.memref_slice %arg3[%add3A_140, %dma_wait3A_157] : memref<8192x768xf32, #tpu.memory_space<hbm>> -> memref<32x768xf32, #tpu.memory_space<hbm>>
    %dma_wait3A_159 = arith.constant 0 : i32
    %dma_wait3A_160 = tpu.memref_slice %arg3[%add3A_140, %dma_wait3A_159] : memref<8192x768xf32, #tpu.memory_space<hbm>> -> memref<32x768xf32, #tpu.memory_space<hbm>>
    tpu.wait_dma2 semaphore(%arg15 : memref<!tpu.dma_semaphore, #tpu.memory_space<semaphore_mem>>) src(%arg7 : memref<32x768xf32, #tpu.memory_space<vmem>>) dst(%dma_wait3A_160 : memref<32x768xf32, #tpu.memory_space<hbm>>)
    return
  }
}

</mosaic_0001>

<sc_bundles>
// kernel: kernel.3.cloned.1.call-start
scs
__scs_entry_jumppad:
0x0: {  	(pc) =	sbr.rel $0x88, $3  }
0x1: {  	(tag) =	ssettag $0x0;
	lr =	simm.s32 $0x1  }
0x2: {  	[smem:$0x3FA0] =	sst lr;
	_ =	strace $0xD0000000  }
0x3: {  	_ = 	snop  }
0x4: {  	_ = 	snop  }
0x5: {  	_ = 	snop  }
0x6: {  	_ = 	snop  }
0x7: {  	_ = 	snop  }
__scs_overlays_trampoline_lowered:
0x8: {  	[smem:$0x3FAF] =	sst s0  }
0x9: {  	[smem:$0x3FB0] =	sst s1  }
0xa: {  	[smem:$0x3FB1] =	sst s2  }
0xb: {  	[smem:$0x3FB2] =	sst s3  }
0xc: {  	[smem:$0x3FB3] =	sst s4  }
0xd: {  	[smem:$0x3FB4] =	sst s5  }
0xe: {  	[smem:$0x3FB5] =	sst s6  }
0xf: {  	[smem:$0x3FB6] =	sst s7  }
0x10: {  	[smem:$0x3FB7] =	sst s8  }
0x11: {  	[smem:$0x3FB8] =	sst s9;
	s0 =	simm.s32 @!p0 $0x0  }
0x12: {  	s1 =	sld [smem:$0x3F9E];
	s0 =	simm.s32 @p0 $0x1  }
0x13: {  	[smem:$0x3FB9] =	sst s0;
	s0 =	simm.s32 @!p1 $0x0  }
0x14: {  	s2 =	sld [smem:$0x3F9D];
	s0 =	simm.s32 @p1 $0x1  }
0x15: {  	[smem:$0x3FBA] =	sst s0;
	s0 =	simm.s32 @!p2 $0x0  }
0x16: {  	s3 =	sld [smem:$0x3FDB];
	s0 =	simm.s32 @p2 $0x1  }
0x17: {  	s4 =	simm.s32 $0x1BF5;
	[smem:$0x3FBC] =	sst s0  }
0x18: {  	s0 =	sld [smem:$0x3F9F];
	_ =	swait.ge [sflag:s4], $0x0  }
0x19: {  	s7 =	sld [smem:$0x3FA0]  }
0x1a: {  	s8 =	sadd.s32 $0xFFFFE003, lr  }
0x1b: {  	s9 =	sadd.s32 $0xFFFFFEF7, lr;
	s5 =	simm.s32 $0xFFFFFFFF;
	p2 =	slt.u32 s8, $0xFFFFF086  }
0x1c: {  	p1 =	slt.u32 s9, $0xF7A;
	s5 =	simm.s32 @!p2 $0x0  }
0x1d: {  	s5 =	simm.s32 @p1 $0x1;
	p0 =	seq.s32 s7, s2  }
0x1e: {  	s7 =	smul.u32 @!p0 $0xF7A, s2;
	p2 =	seq.s32 @!p0 s5, $0x0  }
0x1f: {  	s9 =	smul.u32 $0xF7A, s1;
	s8 =	simm.s32 @!p0 $0x1BF5;
	p2 =	por !p2, p0  }
0x20: {  	[sflag:s8] =	ssyncset.s32 @!p0 $0xFFFFF086;
	s6 =	sadd.s32 @!p0 s3, s7;
	s7 =	simm.s32 @!p0 $0x108  }
0x21: {  	s3 =	sadd.s32 s3, s9;
	s6 =	sadd.s32 @!p0 $0x88, s6;
	s7 =	simm.s32 @p2 $0x1082  }
0x22: {  	[simem:s7], [sflag:s8] =	dma.local @!p0 [hbm:s6], $0xF7A  }
0x23: {  	s9 =	sor.u32 $0xD0000000, s2;
	s6 =	simm.s32 $0x108;
	_ =	swait.ge @!p0 [sflag:s8], $0x0  }
0x24: {  	s3 =	sadd.s32 $0x88, s3;
	s6 =	simm.s32 @!p1 $0x1082;
	[sflag:s4] =	ssyncset.s32 $0xFFFFF086  }
0x25: {  	[simem:s6], [sflag:s4] =	dma.local [hbm:s3], $0xF7A  }
0x26: {  	[smem:$0x3FA0] =	sst s1;
	(tag) =	ssettag s2;
	_ =	strace s9  }
0x27: {  	s1 =	sld [smem:$0x3FB0]  }
0x28: {  	s2 =	sld [smem:$0x3FB1]  }
0x29: {  	s4 =	sld [smem:$0x3FB3]  }
0x2a: {  	p0 =	seq.s32 s5, $0x0;
	s5 =	sld [smem:$0x3FB4]  }
0x2b: {  	s6 =	sld [smem:$0x3FB5]  }
0x2c: {  	s7 =	sld [smem:$0x3FB6]  }
0x2d: {  	s3 =	simm.s32 $0x108;
	s8 =	sld [smem:$0x3FB7]  }
0x2e: {  	s3 =	simm.s32 @!p0 $0x1082;
	s9 =	sld [smem:$0x3FB8]  }
0x2f: {  	lr =	sadd.s32 s0, s3;
	s0 =	sld [smem:$0x3FAF]  }
0x30: {  	s3 =	sld [smem:$0x3FB2]  }
0x31: {  	[smem:$0x3FBB] =	sst s10  }
0x32: {  	s10 =	sld [smem:$0x3FB9];
	_ =	sdelay $0x3  }
0x33: {  	p0 =	seq.s32 s10, $0x1;
	s10 =	sld [smem:$0x3FBB];
	_ =	sdelay $0x3  }
0x34: {  	[smem:$0x3FBB] =	sst s10  }
0x35: {  	s10 =	sld [smem:$0x3FBA];
	_ =	sdelay $0x3  }
0x36: {  	p1 =	seq.s32 s10, $0x1;
	s10 =	sld [smem:$0x3FBB];
	_ =	sdelay $0x3  }
0x37: {  	[smem:$0x3FBB] =	sst s10  }
0x38: {  	s10 =	sld [smem:$0x3FBC]  }
0x39: {  	_ = 	snop;
	(pc) =	sbr.ind lr, $3  }
0x3a: {  	_ = 	snop  }
0x3b: {  	_ = 	snop  }
0x3c: {  	p2 =	seq.s32 s10, $0x1;
	s10 =	sld [smem:$0x3FBB]  }
0x3d: {  	_ =	shalt  }
0x3e: {  	_ =	shalt  }
0x3f: {  	_ =	shalt  }
0x40: {  	_ =	shalt  }
0x41: {  	_ =	shalt  }
0x42: {  	_ =	shalt  }
0x43: {  	_ =	shalt  }
0x44: {  	_ =	shalt  }
0x45: {  	_ =	shalt  }
0x46: {  	_ =	shalt  }
0x47: {  	_ =	shalt  }
0x48: {  	_ =	shalt  }
0x49: {  	_ =	shalt  }
0x4a: {  	_ =	shalt  }
0x4b: {  	_ =	shalt  }
0x4c: {  	_ =	shalt  }
0x4d: {  	_ =	shalt  }
0x4e: {  	_ =	shalt  }
0x4f: {  	_ =	shalt  }
0x50: {  	_ =	shalt  }
0x51: {  	_ =	shalt  }
0x52: {  	_ =	shalt  }
0x53: {  	_ =	shalt  }
0x54: {  	_ =	shalt  }
0x55: {  	_ =	shalt  }
0x56: {  	_ =	shalt  }
0x57: {  	_ =	shalt  }
0x58: {  	_ =	shalt  }
0x59: {  	_ =	shalt  }
0x5a: {  	_ =	shalt  }
0x5b: {  	_ =	shalt  }
0x5c: {  	_ =	shalt  }
0x5d: {  	_ =	shalt  }
0x5e: {  	_ =	shalt  }
0x5f: {  	_ =	shalt  }
0x60: {  	_ =	shalt  }
0x61: {  	_ =	shalt  }
0x62: {  	_ =	shalt  }
0x63: {  	_ =	shalt  }
0x64: {  	_ =	shalt  }
0x65: {  	_ =	shalt  }
0x66: {  	_ =	shalt  }
0x67: {  	_ =	shalt  }
0x68: {  	_ =	shalt  }
0x69: {  	_ =	shalt  }
0x6a: {  	_ =	shalt  }
0x6b: {  	_ =	shalt  }
0x6c: {  	_ =	shalt  }
0x6d: {  	_ =	shalt  }
0x6e: {  	_ =	shalt  }
0x6f: {  	_ =	shalt  }
0x70: {  	_ =	shalt  }
0x71: {  	_ =	shalt  }
0x72: {  	_ =	shalt  }
0x73: {  	_ =	shalt  }
0x74: {  	_ =	shalt  }
0x75: {  	_ =	shalt  }
0x76: {  	_ =	shalt  }
0x77: {  	_ =	shalt  }
0x78: {  	_ =	shalt  }
0x79: {  	_ =	shalt  }
0x7a: {  	_ =	shalt  }
0x7b: {  	_ =	shalt  }
0x7c: {  	_ =	shalt  }
0x7d: {  	_ =	shalt  }
0x7e: {  	_ =	shalt  }
0x7f: {  	_ =	shalt  }
0x80: {  	_ =	shalt  }
0x81: {  	_ =	shalt  }
0x82: {  	_ =	shalt  }
0x83: {  	_ =	shalt  }
0x84: {  	_ =	shalt  }
0x85: {  	_ =	shalt  }
0x86: {  	_ =	shalt  }
0x87: {  	_ =	shalt  }
.Lfunc_end0:
.L_simem_size_0:
called_computation_lowered:
.L_overlay_start_0:
0x88: {  	s2 =	sld [smem:$0x3FD9]  }
0x89: {  	s3 =	sld [smem:$0x3FFE];
	_ =	sdelay $0x1  }
0x8a: {  	s1 =	srdreg.scid  }
0x8b: {  	s0 =	sand.u32 $0x1, s1  }
0x8c: {  	s18 =	sshll.u32 s0, $0xA;
	s2 =	sadd.s32 s3, s2  }
0x8d: {  	s2 =	sadd.s32 s2, s18  }
0x8e: {  	[smem:$0x3FC7] =	sst s2  }
0x8f: {  	_ = 	snop  }
0x90: {  	s2 =	sld [smem:$0x3FC9]  }
0x91: {  	s19 =	sld [smem:$0x3FD0];
	(tm) =	ssettm $0x1  }
0x92: {  	s4 =	sld [smem:$0x3FFB];
	_ =	sdelay $0x3  }
0x93: {  	_ =	strace s4  }
0x94: {  	s4 =	sld [smem:$0x3FFC];
	_ =	sdelay $0x3  }
0x95: {  	_ =	strace s4  }
0x96: {  	s4 =	sld [smem:$0x3FFD];
	_ =	sdelay $0x3  }
0x97: {  	_ =	strace s4  }
0x98: {  	_ =	strace $0x8FFFFFFF  }
0x99: {  	s20 =	sld [smem:$0x3FDB];
	_ =	sdelay $0x1  }
0x9a: {  	s5 =	simm.s32 $_scs_section_size  }
0x9b: {  	s6 =	simm.s32 $_size__tile_overlayer_lowered;
	s7 =	simm.s32 $_tile_overlayer_lowered  }
0x9c: {  	s23 =	simm.s32 $0x1BFF;
	s22 =	sshll.u32 s7, $0x1;
	s4 =	sadd.s32 s5, s20  }
0x9d: {  	s8 =	simm.s32 $0x0;
	s21 =	sshll.u32 s6, $0x1;
	s6 =	sadd.s32 s22, s4  }
0x9e: {  	[timem:s8], [sflag:s23] =	dma.local [hbm:s6], s21  }
0x9f: {  	_ =	swait.ge [sflag:s23], s21  }
0xa0: {  	s5 =	ssub.s32 $0x0, s21;
	[sflag:s23] =	ssyncset.done $0x0  }
0xa1: {  	[sflag:s23] =	ssyncadd.s32 s5;
	_ =	sdelay $0x1  }
0xa2: {  	s24 =	simm.s32 $0x1B8B  }
0xa3: {  	_ =	swait.ge [sflag:s24], $0x1  }
0xa4: {  	[sflag:s24] =	ssyncset.done $0x0  }
0xa5: {  	s25 =	simm.s32 $0x1B8E;
	[sflag:s24] =	ssyncadd.s32 $0xFFFFFFFF  }
0xa6: {  	s26 =	simm.s32 $execute0_lowered;
	[smem:$0x3FD2] =	sst s25  }
0xa7: {  	s5 =	sshll.u32 s26, $0x1;
	_ =	strace $0x80000046;
	[dreg:$0x1] =	wrdreg $0xFFFFFFFF  }
0xa8: {  	s28 =	simm.s32 $_size_execute0_lowered;
	s4 =	sadd.s32 s4, s5;
	[dreg:$0x0] =	wrdreg $0x0  }
0xa9: {  	s5 =	sshll.u32 s28, $0x1;
	[dreg:$0x2] =	wrdreg s4  }
0xaa: {  	[dreg:$0x3] =	wrdreg s5  }
0xab: {  	[dreg:$0x4] =	wrdreg $0xC0  }
0xac: {  	_ =	task [dreg:s8], $0x5FFFF  }
0xad: {  	[dreg:$0x1] =	wrdreg $0xFFFFFFFF  }
0xae: {  	[dreg:$0x0] =	wrdreg $0x60  }
0xaf: {  	[dreg:$0x2] =	wrdreg s2  }
0xb0: {  	[dreg:$0x3] =	wrdreg s19  }
0xb1: {  	[dreg:$0x4] =	wrdreg $0x9  }
0xb2: {  	_ =	task.clear_ibuf [dreg:s8], $0x5FFFF;
	_ =	strace $0x90000046  }
0xb3: {  	s29 =	simm.s32 $0x9;
	_ =	strace $0x80000048  }
0xb4: {  	_ =	swait.ge [sflag:s29], $0x1  }
0xb5: {  	[sflag:s29] =	ssyncadd.s32 $0xFFFFFFFF  }
0xb6: {  	_ =	strace $0x90000048  }
0xb7: {  	_ =	sfence  }
0xb8: {  	s30 =	sld [smem:$0x0];
	_ =	sdelay $0x2  }
0xb9: {  	s31 =	sshll.u32 s1, $0xD;
	s1 =	sshrl.u32 s1, $0x2  }
0xba: {  	s3 =	sand.u32 $0x4000, s31;
	s1 =	sadd.s32 s1, s30  }
0xbb: {  	s0 =	sor.u32 s3, s0;
	s1 =	sshll.u32 s1, $0x11  }
0xbc: {  	s0 =	sor.u32 s1, s0  }
0xbd: {  	s0 =	sadd.s32 $0x8F2B, s0  }
0xbe: {  	[sflag:s0] =	ssyncadd.remote.s32 $0x1  }
0xbf: {  	_ =	sfence.sel $0xFFFF  }
0xc0: {  	[dreg:$0x0] =	wrdreg $0xFFFFFFFF;
	(pc) =	sbr.abs _section_cstart, $3  }
0xc1: {  	[dreg:$0x1] =	wrdreg $0xFFFFFFFF  }
0xc2: {  	_ =	task.clear_ibuf [dreg:s8], $0x2FFFF;
	_ =	strace $0x9FFFFFFF  }
0xc3: {  	(tm) =	ssettm $0x7FFFFFFF  }
tec
execute0_lowered:
.L_overlay_start_1:
0x0: {  	(tag) =	ssettag $0x1  }
0x1: {  	s1 =	srdreg.scid  }
0x2: {  	s0 =	stileid.u32;
	s31 =	sand.u32 $0x1, s1  }
0x3: {  	s26 =	sshll.u32 s0, $0x6;
	s2 =	sshll.u32 s31, $0x5  }
0x4: {  	s25 =	rddreg [dreg:$0x0];
	s5 =	sor.u32 s2, s26;
	s2 =	simm.s32 $0x0  }
0x5: {  	s11 =	smul.u32 $0x300, s5;
	[smem:$0x7FF] =	sst s2  }
0x6: {  	s30 =	rddreg [dreg:$0x1];
	s5 =	smul.u32 $0x1800, s5;
	_ =	strace $0x80000047  }
0x7: {  	s15 =	sor.u32 $0xC00, s11;
	s3 =	sadd.s32 s25, s11;
	s19 =	sor.u32 $0x1800, s11  }
0x8: {  	[tilespmem:s2], [sflag:$0x1] =	stream.linear.gather [hbm4b:s3+s2], $0x6000, $0x38;
	[tilespmem:$0x18000] =	vst v63  }
0x9: {  	s26 =	sshrl.u32 s5, $0x3;
	s5 =	simm.s32 $0x6000;
	s4 =	sadd.s32 s25, s15  }
0xa: {  	[tilespmem:s5], [sflag:$0x2] =	stream.linear.gather [hbm4b:s4+s2], $0x6000, $0x38;
	[tilespmem:$0x18000] =	vst v63  }
0xb: {  	s7 =	simm.s32 $0xC000;
	s6 =	sadd.s32 s25, s19;
	s23 =	sadd.s32 $0x2400, s26  }
0xc: {  	[tilespmem:s7], [sflag:$0x3] =	stream.linear.gather [hbm4b:s6+s2], $0x6000, $0x38;
	[tilespmem:$0x18000] =	vst v63  }
0xd: {  	s9 =	simm.s32 $0x12000;
	s10 =	simm.s32 $0x1;
	s8 =	sadd.s32 s25, s23  }
0xe: {  	[tilespmem:s9], [sflag:$0x4] =	stream.linear.gather [hbm4b:s8+s2], $0x6000, $0x38;
	[tilespmem:$0x18000] =	vst v63  }
0xf: {  	_ =	swait.ge [sflag:s10], $0x6000  }
0x10: {  	[sflag:s10] =	ssyncset.done $0x0  }
0x11: {  	s12 =	simm.s32 $0x5;
	s11 =	sadd.s32 s30, s11;
	[sflag:s10] =	ssyncadd.s32 $0xFFFFA000  }
0x12: {  	[hbm4b:s11+s2] =	stream.linear.scatter [tilespmem:s2], [sflag:$0x5], $0x6000, $0x38;
	[tilespmem:$0x18000] =	vst v63  }
0x13: {  	_ =	swait.ge [sflag:s12], $0x6000  }
0x14: {  	s28 =	sadd.s32 $0x3000, s26;
	[sflag:s12] =	ssyncset.done $0x0  }
0x15: {  	s14 =	simm.s32 $0x2;
	s13 =	sadd.s32 s25, s28;
	[sflag:s12] =	ssyncadd.s32 $0xFFFFA000  }
0x16: {  	[tilespmem:s2], [sflag:$0x1] =	stream.linear.gather [hbm4b:s13+s2], $0x6000, $0x38;
	[tilespmem:$0x18000] =	vst v63  }
0x17: {  	_ =	swait.ge [sflag:s14], $0x6000  }
0x18: {  	[sflag:s14] =	ssyncset.done $0x0  }
0x19: {  	s16 =	simm.s32 $0x6;
	s15 =	sadd.s32 s30, s15;
	[sflag:s14] =	ssyncadd.s32 $0xFFFFA000  }
0x1a: {  	[hbm4b:s15+s2] =	stream.linear.scatter [tilespmem:s5], [sflag:$0x6], $0x6000, $0x38;
	[tilespmem:$0x18000] =	vst v63  }
0x1b: {  	_ =	swait.ge [sflag:s16], $0x6000  }
0x1c: {  	s29 =	sadd.s32 $0x3C00, s26;
	[sflag:s16] =	ssyncset.done $0x0  }
0x1d: {  	s18 =	simm.s32 $0x3;
	s17 =	sadd.s32 s25, s29;
	[sflag:s16] =	ssyncadd.s32 $0xFFFFA000  }
0x1e: {  	[tilespmem:s5], [sflag:$0x2] =	stream.linear.gather [hbm4b:s17+s2], $0x6000, $0x38;
	[tilespmem:$0x18000] =	vst v63  }
0x1f: {  	_ =	swait.ge [sflag:s18], $0x6000  }
0x20: {  	[sflag:s18] =	ssyncset.done $0x0  }
0x21: {  	s20 =	simm.s32 $0x7;
	s19 =	sadd.s32 s30, s19;
	[sflag:s18] =	ssyncadd.s32 $0xFFFFA000  }
0x22: {  	[hbm4b:s19+s2] =	stream.linear.scatter [tilespmem:s7], [sflag:$0x7], $0x6000, $0x38;
	[tilespmem:$0x18000] =	vst v63  }
0x23: {  	_ =	swait.ge [sflag:s20], $0x6000  }
0x24: {  	s1 =	sadd.s32 $0x4800, s26;
	[sflag:s20] =	ssyncset.done $0x0  }
0x25: {  	s22 =	simm.s32 $0x4;
	s21 =	sadd.s32 s25, s1;
	[sflag:s20] =	ssyncadd.s32 $0xFFFFA000  }
0x26: {  	[tilespmem:s7], [sflag:$0x3] =	stream.linear.gather [hbm4b:s21+s2], $0x6000, $0x38;
	[tilespmem:$0x18000] =	vst v63  }
0x27: {  	_ =	swait.ge [sflag:s22], $0x6000  }
0x28: {  	[sflag:s22] =	ssyncset.done $0x0  }
0x29: {  	s24 =	simm.s32 $0x8;
	s23 =	sadd.s32 s30, s23;
	[sflag:s22] =	ssyncadd.s32 $0xFFFFA000  }
0x2a: {  	[hbm4b:s23+s2] =	stream.linear.scatter [tilespmem:s9], [sflag:$0x8], $0x6000, $0x38;
	[tilespmem:$0x18000] =	vst v63  }
0x2b: {  	_ =	swait.ge [sflag:s24], $0x6000  }
0x2c: {  	s0 =	sadd.s32 $0x5400, s26;
	[sflag:s24] =	ssyncset.done $0x0  }
0x2d: {  	s25 =	sadd.s32 s25, s0;
	[sflag:s24] =	ssyncadd.s32 $0xFFFFA000  }
0x2e: {  	[tilespmem:s9], [sflag:$0x4] =	stream.linear.gather [hbm4b:s25+s2], $0x6000, $0x38;
	[tilespmem:$0x18000] =	vst v63  }
0x2f: {  	_ =	swait.ge [sflag:s10], $0x6000  }
0x30: {  	[sflag:s10] =	ssyncset.done $0x0  }
0x31: {  	s26 =	sadd.s32 s30, s28;
	[sflag:s10] =	ssyncadd.s32 $0xFFFFA000  }
0x32: {  	[hbm4b:s26+s2] =	stream.linear.scatter [tilespmem:s2], [sflag:$0x5], $0x6000, $0x38;
	[tilespmem:$0x18000] =	vst v63  }
0x33: {  	_ =	swait.ge [sflag:s14], $0x6000  }
0x34: {  	[sflag:s14] =	ssyncset.done $0x0  }
0x35: {  	s28 =	sadd.s32 s30, s29;
	[sflag:s14] =	ssyncadd.s32 $0xFFFFA000  }
0x36: {  	[hbm4b:s28+s2] =	stream.linear.scatter [tilespmem:s5], [sflag:$0x6], $0x6000, $0x38;
	[tilespmem:$0x18000] =	vst v63  }
0x37: {  	_ =	swait.ge [sflag:s18], $0x6000  }
0x38: {  	[sflag:s18] =	ssyncset.done $0x0  }
0x39: {  	s29 =	sadd.s32 s30, s1;
	[sflag:s18] =	ssyncadd.s32 $0xFFFFA000  }
0x3a: {  	[hbm4b:s29+s2] =	stream.linear.scatter [tilespmem:s7], [sflag:$0x7], $0x6000, $0x38;
	[tilespmem:$0x18000] =	vst v63  }
0x3b: {  	_ =	swait.ge [sflag:s22], $0x6000  }
0x3c: {  	[sflag:s22] =	ssyncset.done $0x0  }
0x3d: {  	s30 =	sadd.s32 s30, s0;
	[sflag:s22] =	ssyncadd.s32 $0xFFFFA000  }
0x3e: {  	[hbm4b:s30+s2] =	stream.linear.scatter [tilespmem:s9], [sflag:$0x8], $0x6000, $0x38;
	[tilespmem:$0x18000] =	vst v63  }
0x3f: {  	_ =	swait.ge [sflag:s12], $0x6000  }
0x40: {  	s0 =	ssub.s32 $0x2, s31;
	[sflag:s12] =	ssyncset.done $0x0  }
0x41: {  	s1 =	sshrl.u32 s0, $0x1;
	[sflag:s12] =	ssyncadd.s32 $0xFFFFA000  }
0x42: {  	s0 =	ssub.s32 s0, s1;
	_ =	swait.ge [sflag:s16], $0x6000  }
0x43: {  	s0 =	smax.u32 s0, $0x1;
	[sflag:s16] =	ssyncset.done $0x0  }
0x44: {  	p0 =	sne.s32 s0, $0x1;
	[sflag:s16] =	ssyncadd.s32 $0xFFFFA000  }
.Ltmp0:
0x45: {  	_ =	swait.ge [sflag:s20], $0x6000;
	(pc) =	sbr.rel @!p0 .LBB2_2-.Ltmp0, $4  }
0x46: {  	[sflag:s20] =	ssyncset.done $0x0  }
0x47: {  	[sflag:s20] =	ssyncadd.s32 $0xFFFFA000  }
0x48: {  	_ =	swait.ge [sflag:s24], $0x6000  }
0x49: {  	s31 =	sadd.s32 $0xFFFFFFFF, s0;
	[sflag:s24] =	ssyncset.done $0x0  }
.LBB2_1:
0x4a: {  	p0 =	sne.s32 s31, $0x1;
	s31 =	sadd.s32 $0xFFFFFFFF, s31;
	[sflag:s24] =	ssyncadd.s32 $0xFFFFA000  }
0x4b: {  	[tilespmem:s2], [sflag:$0x1] =	stream.linear.gather [hbm4b:s3+s2], $0x6000, $0x38;
	[tilespmem:$0x18000] =	vst v63  }
0x4c: {  	_ = 	snop  }
0x4d: {  	[tilespmem:s5], [sflag:$0x2] =	stream.linear.gather [hbm4b:s4+s2], $0x6000, $0x38;
	[tilespmem:$0x18000] =	vst v63  }
0x4e: {  	_ = 	snop  }
0x4f: {  	[tilespmem:s7], [sflag:$0x3] =	stream.linear.gather [hbm4b:s6+s2], $0x6000, $0x38;
	[tilespmem:$0x18000] =	vst v63  }
0x50: {  	_ = 	snop  }
0x51: {  	[tilespmem:s9], [sflag:$0x4] =	stream.linear.gather [hbm4b:s8+s2], $0x6000, $0x38;
	[tilespmem:$0x18000] =	vst v63  }
0x52: {  	_ =	swait.ge [sflag:s10], $0x6000  }
0x53: {  	[sflag:s10] =	ssyncset.done $0x0  }
0x54: {  	[sflag:s10] =	ssyncadd.s32 $0xFFFFA000  }
0x55: {  	[hbm4b:s11+s2] =	stream.linear.scatter [tilespmem:s2], [sflag:$0x5], $0x6000, $0x38;
	[tilespmem:$0x18000] =	vst v63  }
0x56: {  	_ =	swait.ge [sflag:s12], $0x6000  }
0x57: {  	[sflag:s12] =	ssyncset.done $0x0  }
0x58: {  	[sflag:s12] =	ssyncadd.s32 $0xFFFFA000  }
0x59: {  	[tilespmem:s2], [sflag:$0x1] =	stream.linear.gather [hbm4b:s13+s2], $0x6000, $0x38;
	[tilespmem:$0x18000] =	vst v63  }
0x5a: {  	_ =	swait.ge [sflag:s14], $0x6000  }
0x5b: {  	[sflag:s14] =	ssyncset.done $0x0  }
0x5c: {  	[sflag:s14] =	ssyncadd.s32 $0xFFFFA000  }
0x5d: {  	[hbm4b:s15+s2] =	stream.linear.scatter [tilespmem:s5], [sflag:$0x6], $0x6000, $0x38;
	[tilespmem:$0x18000] =	vst v63  }
0x5e: {  	_ =	swait.ge [sflag:s16], $0x6000  }
0x5f: {  	[sflag:s16] =	ssyncset.done $0x0  }
0x60: {  	[sflag:s16] =	ssyncadd.s32 $0xFFFFA000  }
0x61: {  	[tilespmem:s5], [sflag:$0x2] =	stream.linear.gather [hbm4b:s17+s2], $0x6000, $0x38;
	[tilespmem:$0x18000] =	vst v63  }
0x62: {  	_ =	swait.ge [sflag:s18], $0x6000  }
0x63: {  	[sflag:s18] =	ssyncset.done $0x0  }
0x64: {  	[sflag:s18] =	ssyncadd.s32 $0xFFFFA000  }
0x65: {  	[hbm4b:s19+s2] =	stream.linear.scatter [tilespmem:s7], [sflag:$0x7], $0x6000, $0x38;
	[tilespmem:$0x18000] =	vst v63  }
0x66: {  	_ =	swait.ge [sflag:s20], $0x6000  }
0x67: {  	[sflag:s20] =	ssyncset.done $0x0  }
0x68: {  	[sflag:s20] =	ssyncadd.s32 $0xFFFFA000  }
0x69: {  	[tilespmem:s7], [sflag:$0x3] =	stream.linear.gather [hbm4b:s21+s2], $0x6000, $0x38;
	[tilespmem:$0x18000] =	vst v63  }
0x6a: {  	_ =	swait.ge [sflag:s22], $0x6000  }
0x6b: {  	[sflag:s22] =	ssyncset.done $0x0  }
0x6c: {  	[sflag:s22] =	ssyncadd.s32 $0xFFFFA000  }
0x6d: {  	[hbm4b:s23+s2] =	stream.linear.scatter [tilespmem:s9], [sflag:$0x8], $0x6000, $0x38;
	[tilespmem:$0x18000] =	vst v63  }
0x6e: {  	_ =	swait.ge [sflag:s24], $0x6000  }
0x6f: {  	[sflag:s24] =	ssyncset.done $0x0  }
0x70: {  	[sflag:s24] =	ssyncadd.s32 $0xFFFFA000  }
0x71: {  	[tilespmem:s9], [sflag:$0x4] =	stream.linear.gather [hbm4b:s25+s2], $0x6000, $0x38;
	[tilespmem:$0x18000] =	vst v63  }
0x72: {  	_ =	swait.ge [sflag:s10], $0x6000  }
0x73: {  	[sflag:s10] =	ssyncset.done $0x0  }
0x74: {  	[sflag:s10] =	ssyncadd.s32 $0xFFFFA000  }
0x75: {  	[hbm4b:s26+s2] =	stream.linear.scatter [tilespmem:s2], [sflag:$0x5], $0x6000, $0x38;
	[tilespmem:$0x18000] =	vst v63  }
0x76: {  	_ =	swait.ge [sflag:s14], $0x6000  }
0x77: {  	[sflag:s14] =	ssyncset.done $0x0  }
0x78: {  	[sflag:s14] =	ssyncadd.s32 $0xFFFFA000  }
0x79: {  	[hbm4b:s28+s2] =	stream.linear.scatter [tilespmem:s5], [sflag:$0x6], $0x6000, $0x38;
	[tilespmem:$0x18000] =	vst v63  }
0x7a: {  	_ =	swait.ge [sflag:s18], $0x6000  }
0x7b: {  	[sflag:s18] =	ssyncset.done $0x0  }
0x7c: {  	[sflag:s18] =	ssyncadd.s32 $0xFFFFA000  }
0x7d: {  	[hbm4b:s29+s2] =	stream.linear.scatter [tilespmem:s7], [sflag:$0x7], $0x6000, $0x38;
	[tilespmem:$0x18000] =	vst v63  }
0x7e: {  	_ =	swait.ge [sflag:s22], $0x6000  }
0x7f: {  	[sflag:s22] =	ssyncset.done $0x0  }
0x80: {  	[sflag:s22] =	ssyncadd.s32 $0xFFFFA000  }
0x81: {  	[hbm4b:s30+s2] =	stream.linear.scatter [tilespmem:s9], [sflag:$0x8], $0x6000, $0x38;
	[tilespmem:$0x18000] =	vst v63  }
0x82: {  	_ =	swait.ge [sflag:s12], $0x6000  }
0x83: {  	[sflag:s12] =	ssyncset.done $0x0  }
0x84: {  	[sflag:s12] =	ssyncadd.s32 $0xFFFFA000  }
0x85: {  	_ =	swait.ge [sflag:s16], $0x6000  }
0x86: {  	[sflag:s16] =	ssyncset.done $0x0  }
0x87: {  	[sflag:s16] =	ssyncadd.s32 $0xFFFFA000  }
.Ltmp1:
0x88: {  	_ =	swait.ge [sflag:s20], $0x6000;
	(pc) =	sbr.rel @p0 .LBB2_1-.Ltmp1, $4  }
0x89: {  	[sflag:s20] =	ssyncset.done $0x0  }
0x8a: {  	[sflag:s20] =	ssyncadd.s32 $0xFFFFA000  }
0x8b: {  	_ =	swait.ge [sflag:s24], $0x6000  }
0x8c: {  	[sflag:s24] =	ssyncset.done $0x0  }
.LBB2_2:
0x8d: {  	[sflag:s24] =	ssyncadd.s32 $0xFFFFA000  }
0x8e: {  	_ =	sfence.sel $0x180000  }
0x8f: {  	[bflag:$0x0] =	sbarrier.arrive $0xFFFF  }
0x90: {  	_ =	strace $0x90000047  }
0x91: {  	s0 =	stileid.u32;
	[bflag:$0x2] =	sbarrier.arrive $0xFFFF  }
0x92: {  	p0 =	sne.s32 s0, $0x0;
	s0 =	rddreg [dreg:$0x2]  }
0x93: {  	s0 =	sadd.s32 @!p0 $0x100000, s0  }
0x94: {  	[sflag:s0] =	ssyncadd.tile.s32 @!p0 $0x1;
	_ =	shalt  }
.Lfunc_end2:
_tile_overlayer_lowered:
.L_overlay_start_2:
0x95: {  	(tag) =	ssettag $0x2  }
0x96: {  	s0 =	rddreg [dreg:$0x0];
	s2 =	stileid.u32  }
0x97: {  	s1 =	rddreg [dreg:$0x1];
	p0 =	sne.s32 s2, $0x0  }
0x98: {  	s3 =	rddreg [dreg:$0x2];
	[bflag:$0x3] =	sbarrier.arrive $0xFFFF;
	s2 =	simm.s32 @!p0 $0x1C09  }
0x99: {  	[timem:s3], [sflag:s2] =	dma.local @!p0 [hbm:s0], s1  }
0x9a: {  	s0 =	simm.s32 @!p0 $0x9  }
0x9b: {  	_ =	swait.ge @!p0 [sflag:s0], s1  }
0x9c: {  	s1 =	ssub.s32 @!p0 $0x0, s1;
	[sflag:s0] =	ssyncset.done @!p0 $0x0  }
0x9d: {  	[sflag:s0] =	ssyncadd.s32 @!p0 s1  }
0x9e: {  	[bflag:$0x3] =	sbarrier.arrive $0xFFFF  }
0x9f: {  	_ =	shalt  }

</sc_bundles>
